<compile_context>
chip_gen: v7x
topology: tpu7x:2x2x1
jax: 0.10.2.dev20260603
libtpu: 0.0.44.dev20260713+nightly
codegen_flags: <defaults>
</compile_context>

<pallas_src>
import functools

import numpy as np

import jax
import jax.numpy as jnp
from jax import lax
from jax.experimental import pallas as pl
from jax.experimental.pallas import tpu as pltpu
from jax.experimental.pallas import tpu_sc as plsc

N_CLASSES = 1000
N_BATCH = 16384
NUM_CORES = 2
NUM_SUBCORES = 16
LANES = 16
NUM_WORKERS = NUM_CORES * NUM_SUBCORES
COLS_PER_WORKER = N_BATCH // NUM_WORKERS
CHUNK_COLS = 128
NUM_CHUNKS = COLS_PER_WORKER // CHUNK_COLS
GROUPS = CHUNK_COLS // LANES


def _onehot_body(x_hbm, ztmpl_hbm, out_hbm, idx_v, buf, sem, sem_in):
    wid = lax.axis_index("c") * NUM_SUBCORES + lax.axis_index("s")
    col_base = wid * COLS_PER_WORKER

    iota16 = lax.iota(jnp.int32, LANES)
    ones = jnp.full((LANES,), 1.0, jnp.float32)
    zeros = jnp.zeros((LANES,), jnp.float32)

    cp_idx = pltpu.async_copy(
        x_hbm.at[pl.ds(col_base, COLS_PER_WORKER)], idx_v, sem_in)
    cp_z = pltpu.async_copy(ztmpl_hbm, buf, sem)
    cp_idx.wait()
    cp_z.wait()

    def chunk_body(c, carry):
        groups = []
        for j in range(GROUPS):
            cls = idx_v[pl.ds(c * CHUNK_COLS + j * LANES, LANES)]
            col = iota16 + (j * LANES)
            plsc.store_scatter(buf, [cls, col], ones)
            groups.append((cls, col))
        pltpu.async_copy(
            buf, out_hbm.at[:, pl.ds(col_base + c * CHUNK_COLS, CHUNK_COLS)],
            sem).wait()
        for cls, col in groups:
            plsc.store_scatter(buf, [cls, col], zeros)
        return carry

    lax.fori_loop(0, NUM_CHUNKS, chunk_body, 0)


_onehot_sc = functools.partial(
    pl.kernel,
    out_type=jax.ShapeDtypeStruct((N_CLASSES, N_BATCH), jnp.float32),
    mesh=plsc.VectorSubcoreMesh(
        core_axis_name="c", subcore_axis_name="s",
        num_cores=NUM_CORES, num_subcores=NUM_SUBCORES),
    scratch_types=[
        pltpu.VMEM((COLS_PER_WORKER,), jnp.int32),
        pltpu.VMEM((N_CLASSES, CHUNK_COLS), jnp.float32),
        pltpu.SemaphoreType.DMA,
        pltpu.SemaphoreType.DMA,
    ],
    compiler_params=pltpu.CompilerParams(
        needs_layout_passes=False, use_tc_tiling_on_sc=True),
)(_onehot_body)


_ZTMPL = np.zeros((N_CLASSES, CHUNK_COLS), np.float32)


def kernel(x):
    x = x.astype(jnp.int32)
    return _onehot_sc(x, _ZTMPL).T

# --- scband reference (transcript-rebuilt; emitter-appended) ---
"""Pipeline reference for scband-one-hot-42279658062423 (READ-ONLY COPY).

The authoritative reference and input builder live on the scoring server;
editing this copy changes nothing except your own understanding.
"""

import jax, jax.numpy as jnp
import numpy as np

NUM_EMBEDDINGS = 1000
BATCH = 16384


def setup_inputs(seed: int = 0) -> dict:
    key = jax.random.key(seed)
    x = jax.random.randint(key, (BATCH,), 0, NUM_EMBEDDINGS, dtype=jnp.int64 if jax.config.jax_enable_x64 else jnp.int32)
    return {"x": x}


def reference(x):
    # Faithful translation of torch scatter_ based one-hot:
    # ret = zeros(x.shape + (N,)); ret.scatter_(-1, x.unsqueeze(-1), 1)
    ret_shape = x.shape + (NUM_EMBEDDINGS,)
    ret = jnp.zeros(ret_shape, dtype=jnp.float32)
    batch_idx = jnp.arange(x.shape[0])
    ret = ret.at[batch_idx, x].set(1.0)
    return ret

if __name__ == "__main__":
    import jax
    _d = setup_inputs()
    print(jax.jit(kernel)(*tuple(_d.values())))

</pallas_src>

<mosaic_0001>
#map = affine_map<(d0, d1) -> (0)>
#map1 = affine_map<(d0, d1) -> (0, 0)>
module attributes {stable_mosaic.version = 14 : i64} {
  func.func @_onehot_body(%arg0: i32, %arg1: i32, %arg2: memref<16384xi32, #tpu.memory_space<hbm>>, %arg3: memref<1000x128xf32, #tpu.memory_space<hbm>>, %arg4: memref<1000x16384xf32, #tpu.memory_space<hbm>>, %arg5: memref<512xi32, #tpu.memory_space<vmem>>, %arg6: memref<1000x128xf32, #tpu.memory_space<vmem>>, %arg7: memref<!tpu.dma_semaphore, #tpu.memory_space<semaphore_mem>>, %arg8: memref<!tpu.dma_semaphore, #tpu.memory_space<semaphore_mem>>) attributes {dimension_semantics = [#tpu.dimension_semantics<core_parallel>, #tpu.dimension_semantics<subcore_parallel>], iteration_bounds = array<i64: 2, 16>, scalar_prefetch = 0 : i64, scratch_operands = 4 : i64, tpu.core_type = #tpu.core_type<sc_vector_subcore>, window_params = [{transform_indices = #map}, {transform_indices = #map1}, {transform_indices = #map1}]} {
    %mul3A = arith.constant 16 : i32
    %mul3A_0 = arith.muli %arg0, %mul3A : i32
    %add3A = arith.addi %mul3A_0, %arg1 : i32
    %mul3A_1 = arith.constant 512 : i32
    %mul3A_2 = arith.muli %add3A, %mul3A_1 : i32
    %iota3A = tpu.iota {dimensions = array<i32: 0>} : vector<16xi32>
    %broadcast_in_dim3A = arith.constant 1.000000e+00 : f32
    %broadcast_in_dim3A_3 = vector.broadcast %broadcast_in_dim3A : f32 to vector<16xf32>
    %broadcast_in_dim3A_4 = arith.constant 0.000000e+00 : f32
    %broadcast_in_dim3A_5 = vector.broadcast %broadcast_in_dim3A_4 : f32 to vector<16xf32>
    %dma_start3A = tpu.memref_slice %arg2[%mul3A_2] : memref<16384xi32, #tpu.memory_space<hbm>> -> memref<512xi32, #tpu.memory_space<hbm>>
    %dma_start3A_6 = tpu.memref_slice %arg2[%mul3A_2] : memref<16384xi32, #tpu.memory_space<hbm>> -> memref<512xi32, #tpu.memory_space<hbm>>
    tpu.enqueue_dma source(%dma_start3A_6 : memref<512xi32, #tpu.memory_space<hbm>>) target(%arg5 : memref<512xi32, #tpu.memory_space<vmem>>) target_semaphore(%arg8 : memref<!tpu.dma_semaphore, #tpu.memory_space<semaphore_mem>>)
    tpu.enqueue_dma source(%arg3 : memref<1000x128xf32, #tpu.memory_space<hbm>>) target(%arg6 : memref<1000x128xf32, #tpu.memory_space<vmem>>) target_semaphore(%arg7 : memref<!tpu.dma_semaphore, #tpu.memory_space<semaphore_mem>>)
    %dma_wait3A = tpu.memref_slice %arg2[%mul3A_2] : memref<16384xi32, #tpu.memory_space<hbm>> -> memref<512xi32, #tpu.memory_space<hbm>>
    %dma_wait3A_7 = tpu.memref_slice %arg2[%mul3A_2] : memref<16384xi32, #tpu.memory_space<hbm>> -> memref<512xi32, #tpu.memory_space<hbm>>
    tpu.wait_dma2 semaphore(%arg8 : memref<!tpu.dma_semaphore, #tpu.memory_space<semaphore_mem>>) src(%dma_wait3A_7 : memref<512xi32, #tpu.memory_space<hbm>>) dst(%arg5 : memref<512xi32, #tpu.memory_space<vmem>>)
    tpu.wait_dma2 semaphore(%arg7 : memref<!tpu.dma_semaphore, #tpu.memory_space<semaphore_mem>>) src(%arg3 : memref<1000x128xf32, #tpu.memory_space<hbm>>) dst(%arg6 : memref<1000x128xf32, #tpu.memory_space<vmem>>)
    %scan3A = arith.constant 0 : i32
    %scan3A_8 = arith.constant 0 : i32
    %scan3A_9 = arith.constant 4 : i32
    %scan3A_10 = arith.addi %scan3A_8, %scan3A_9 : i32
    %scan3A_11 = arith.constant 1 : i32
    scf.for %scan3A_13 = %scan3A_8 to %scan3A_10 step %scan3A_11  : i32 {
      %mul3A_14 = arith.constant 128 : i32
      %mul3A_15 = arith.muli %scan3A_13, %mul3A_14 : i32
      %add3A_16 = arith.constant 0 : i32
      %add3A_17 = arith.addi %mul3A_15, %add3A_16 : i32
      %get3A = arith.index_cast %add3A_17 : i32 to index
      %get3A_18 = tpu.vector_load %arg5[%get3A] {strides = array<i32>} : memref<512xi32, #tpu.memory_space<vmem>>, vector<16xi32>,
      %add3A_19 = arith.constant 0 : i32
      %add3A_20 = vector.broadcast %add3A_19 : i32 to vector<16xi32>
      %add3A_21 = arith.addi %iota3A, %add3A_20 : vector<16xi32>
      tpu.vector_store_idx %arg6[%get3A_18, %add3A_21], %broadcast_in_dim3A_3 : memref<1000x128xf32, #tpu.memory_space<vmem>>[vector<16xi32>, vector<16xi32>], vector<16xf32>,
      %mul3A_22 = arith.constant 128 : i32
      %mul3A_23 = arith.muli %scan3A_13, %mul3A_22 : i32
      %add3A_24 = arith.constant 16 : i32
      %add3A_25 = arith.addi %mul3A_23, %add3A_24 : i32
      %get3A_26 = arith.index_cast %add3A_25 : i32 to index
      %get3A_27 = tpu.vector_load %arg5[%get3A_26] {strides = array<i32>} : memref<512xi32, #tpu.memory_space<vmem>>, vector<16xi32>,
      %add3A_28 = arith.constant 16 : i32
      %add3A_29 = vector.broadcast %add3A_28 : i32 to vector<16xi32>
      %add3A_30 = arith.addi %iota3A, %add3A_29 : vector<16xi32>
      tpu.vector_store_idx %arg6[%get3A_27, %add3A_30], %broadcast_in_dim3A_3 : memref<1000x128xf32, #tpu.memory_space<vmem>>[vector<16xi32>, vector<16xi32>], vector<16xf32>,
      %mul3A_31 = arith.constant 128 : i32
      %mul3A_32 = arith.muli %scan3A_13, %mul3A_31 : i32
      %add3A_33 = arith.constant 32 : i32
      %add3A_34 = arith.addi %mul3A_32, %add3A_33 : i32
      %get3A_35 = arith.index_cast %add3A_34 : i32 to index
      %get3A_36 = tpu.vector_load %arg5[%get3A_35] {strides = array<i32>} : memref<512xi32, #tpu.memory_space<vmem>>, vector<16xi32>,
      %add3A_37 = arith.constant 32 : i32
      %add3A_38 = vector.broadcast %add3A_37 : i32 to vector<16xi32>
      %add3A_39 = arith.addi %iota3A, %add3A_38 : vector<16xi32>
      tpu.vector_store_idx %arg6[%get3A_36, %add3A_39], %broadcast_in_dim3A_3 : memref<1000x128xf32, #tpu.memory_space<vmem>>[vector<16xi32>, vector<16xi32>], vector<16xf32>,
      %mul3A_40 = arith.constant 128 : i32
      %mul3A_41 = arith.muli %scan3A_13, %mul3A_40 : i32
      %add3A_42 = arith.constant 48 : i32
      %add3A_43 = arith.addi %mul3A_41, %add3A_42 : i32
      %get3A_44 = arith.index_cast %add3A_43 : i32 to index
      %get3A_45 = tpu.vector_load %arg5[%get3A_44] {strides = array<i32>} : memref<512xi32, #tpu.memory_space<vmem>>, vector<16xi32>,
      %add3A_46 = arith.constant 48 : i32
      %add3A_47 = vector.broadcast %add3A_46 : i32 to vector<16xi32>
      %add3A_48 = arith.addi %iota3A, %add3A_47 : vector<16xi32>
      tpu.vector_store_idx %arg6[%get3A_45, %add3A_48], %broadcast_in_dim3A_3 : memref<1000x128xf32, #tpu.memory_space<vmem>>[vector<16xi32>, vector<16xi32>], vector<16xf32>,
      %mul3A_49 = arith.constant 128 : i32
      %mul3A_50 = arith.muli %scan3A_13, %mul3A_49 : i32
      %add3A_51 = arith.constant 64 : i32
      %add3A_52 = arith.addi %mul3A_50, %add3A_51 : i32
      %get3A_53 = arith.index_cast %add3A_52 : i32 to index
      %get3A_54 = tpu.vector_load %arg5[%get3A_53] {strides = array<i32>} : memref<512xi32, #tpu.memory_space<vmem>>, vector<16xi32>,
      %add3A_55 = arith.constant 64 : i32
      %add3A_56 = vector.broadcast %add3A_55 : i32 to vector<16xi32>
      %add3A_57 = arith.addi %iota3A, %add3A_56 : vector<16xi32>
      tpu.vector_store_idx %arg6[%get3A_54, %add3A_57], %broadcast_in_dim3A_3 : memref<1000x128xf32, #tpu.memory_space<vmem>>[vector<16xi32>, vector<16xi32>], vector<16xf32>,
      %mul3A_58 = arith.constant 128 : i32
      %mul3A_59 = arith.muli %scan3A_13, %mul3A_58 : i32
      %add3A_60 = arith.constant 80 : i32
      %add3A_61 = arith.addi %mul3A_59, %add3A_60 : i32
      %get3A_62 = arith.index_cast %add3A_61 : i32 to index
      %get3A_63 = tpu.vector_load %arg5[%get3A_62] {strides = array<i32>} : memref<512xi32, #tpu.memory_space<vmem>>, vector<16xi32>,
      %add3A_64 = arith.constant 80 : i32
      %add3A_65 = vector.broadcast %add3A_64 : i32 to vector<16xi32>
      %add3A_66 = arith.addi %iota3A, %add3A_65 : vector<16xi32>
      tpu.vector_store_idx %arg6[%get3A_63, %add3A_66], %broadcast_in_dim3A_3 : memref<1000x128xf32, #tpu.memory_space<vmem>>[vector<16xi32>, vector<16xi32>], vector<16xf32>,
      %mul3A_67 = arith.constant 128 : i32
      %mul3A_68 = arith.muli %scan3A_13, %mul3A_67 : i32
      %add3A_69 = arith.constant 96 : i32
      %add3A_70 = arith.addi %mul3A_68, %add3A_69 : i32
      %get3A_71 = arith.index_cast %add3A_70 : i32 to index
      %get3A_72 = tpu.vector_load %arg5[%get3A_71] {strides = array<i32>} : memref<512xi32, #tpu.memory_space<vmem>>, vector<16xi32>,
      %add3A_73 = arith.constant 96 : i32
      %add3A_74 = vector.broadcast %add3A_73 : i32 to vector<16xi32>
      %add3A_75 = arith.addi %iota3A, %add3A_74 : vector<16xi32>
      tpu.vector_store_idx %arg6[%get3A_72, %add3A_75], %broadcast_in_dim3A_3 : memref<1000x128xf32, #tpu.memory_space<vmem>>[vector<16xi32>, vector<16xi32>], vector<16xf32>,
      %mul3A_76 = arith.constant 128 : i32
      %mul3A_77 = arith.muli %scan3A_13, %mul3A_76 : i32
      %add3A_78 = arith.constant 112 : i32
      %add3A_79 = arith.addi %mul3A_77, %add3A_78 : i32
      %get3A_80 = arith.index_cast %add3A_79 : i32 to index
      %get3A_81 = tpu.vector_load %arg5[%get3A_80] {strides = array<i32>} : memref<512xi32, #tpu.memory_space<vmem>>, vector<16xi32>,
      %add3A_82 = arith.constant 112 : i32
      %add3A_83 = vector.broadcast %add3A_82 : i32 to vector<16xi32>
      %add3A_84 = arith.addi %iota3A, %add3A_83 : vector<16xi32>
      tpu.vector_store_idx %arg6[%get3A_81, %add3A_84], %broadcast_in_dim3A_3 : memref<1000x128xf32, #tpu.memory_space<vmem>>[vector<16xi32>, vector<16xi32>], vector<16xf32>,
      %mul3A_85 = arith.constant 128 : i32
      %mul3A_86 = arith.muli %scan3A_13, %mul3A_85 : i32
      %add3A_87 = arith.addi %mul3A_2, %mul3A_86 : i32
      %dma_start3A_88 = arith.constant 0 : i32
      %dma_start3A_89 = tpu.memref_slice %arg4[%dma_start3A_88, %add3A_87] : memref<1000x16384xf32, #tpu.memory_space<hbm>> -> memref<1000x128xf32, #tpu.memory_space<hbm>>
      %dma_start3A_90 = arith.constant 0 : i32
      %dma_start3A_91 = tpu.memref_slice %arg4[%dma_start3A_90, %add3A_87] : memref<1000x16384xf32, #tpu.memory_space<hbm>> -> memref<1000x128xf32, #tpu.memory_space<hbm>>
      tpu.enqueue_dma source(%arg6 : memref<1000x128xf32, #tpu.memory_space<vmem>>) target(%dma_start3A_91 : memref<1000x128xf32, #tpu.memory_space<hbm>>) target_semaphore(%arg7 : memref<!tpu.dma_semaphore, #tpu.memory_space<semaphore_mem>>)
      %dma_wait3A_92 = arith.constant 0 : i32
      %dma_wait3A_93 = tpu.memref_slice %arg4[%dma_wait3A_92, %add3A_87] : memref<1000x16384xf32, #tpu.memory_space<hbm>> -> memref<1000x128xf32, #tpu.memory_space<hbm>>
      %dma_wait3A_94 = arith.constant 0 : i32
      %dma_wait3A_95 = tpu.memref_slice %arg4[%dma_wait3A_94, %add3A_87] : memref<1000x16384xf32, #tpu.memory_space<hbm>> -> memref<1000x128xf32, #tpu.memory_space<hbm>>
      tpu.wait_dma2 semaphore(%arg7 : memref<!tpu.dma_semaphore, #tpu.memory_space<semaphore_mem>>) src(%arg6 : memref<1000x128xf32, #tpu.memory_space<vmem>>) dst(%dma_wait3A_95 : memref<1000x128xf32, #tpu.memory_space<hbm>>)
      tpu.vector_store_idx %arg6[%get3A_18, %add3A_21], %broadcast_in_dim3A_5 : memref<1000x128xf32, #tpu.memory_space<vmem>>[vector<16xi32>, vector<16xi32>], vector<16xf32>,
      tpu.vector_store_idx %arg6[%get3A_27, %add3A_30], %broadcast_in_dim3A_5 : memref<1000x128xf32, #tpu.memory_space<vmem>>[vector<16xi32>, vector<16xi32>], vector<16xf32>,
      tpu.vector_store_idx %arg6[%get3A_36, %add3A_39], %broadcast_in_dim3A_5 : memref<1000x128xf32, #tpu.memory_space<vmem>>[vector<16xi32>, vector<16xi32>], vector<16xf32>,
      tpu.vector_store_idx %arg6[%get3A_45, %add3A_48], %broadcast_in_dim3A_5 : memref<1000x128xf32, #tpu.memory_space<vmem>>[vector<16xi32>, vector<16xi32>], vector<16xf32>,
      tpu.vector_store_idx %arg6[%get3A_54, %add3A_57], %broadcast_in_dim3A_5 : memref<1000x128xf32, #tpu.memory_space<vmem>>[vector<16xi32>, vector<16xi32>], vector<16xf32>,
      tpu.vector_store_idx %arg6[%get3A_63, %add3A_66], %broadcast_in_dim3A_5 : memref<1000x128xf32, #tpu.memory_space<vmem>>[vector<16xi32>, vector<16xi32>], vector<16xf32>,
      tpu.vector_store_idx %arg6[%get3A_72, %add3A_75], %broadcast_in_dim3A_5 : memref<1000x128xf32, #tpu.memory_space<vmem>>[vector<16xi32>, vector<16xi32>], vector<16xf32>,
      tpu.vector_store_idx %arg6[%get3A_81, %add3A_84], %broadcast_in_dim3A_5 : memref<1000x128xf32, #tpu.memory_space<vmem>>[vector<16xi32>, vector<16xi32>], vector<16xf32>,
    }
    %scan3A_12 = arith.constant 4 : i32
    return
  }
}

</mosaic_0001>

<sc_bundles>
// kernel: kernel.3.cloned.1.call-start
scs
__scs_entry_jumppad:
0x0: {  	(pc) =	sbr.rel $0x88, $3  }
0x1: {  	(tag) =	ssettag $0x0;
	lr =	simm.s32 $0x1  }
0x2: {  	[smem:$0x3FA0] =	sst lr;
	_ =	strace $0xD0000000  }
0x3: {  	_ = 	snop  }
0x4: {  	_ = 	snop  }
0x5: {  	_ = 	snop  }
0x6: {  	_ = 	snop  }
0x7: {  	_ = 	snop  }
__scs_overlays_trampoline_lowered:
0x8: {  	[smem:$0x3FAF] =	sst s0  }
0x9: {  	[smem:$0x3FB0] =	sst s1  }
0xa: {  	[smem:$0x3FB1] =	sst s2  }
0xb: {  	[smem:$0x3FB2] =	sst s3  }
0xc: {  	[smem:$0x3FB3] =	sst s4  }
0xd: {  	[smem:$0x3FB4] =	sst s5  }
0xe: {  	[smem:$0x3FB5] =	sst s6  }
0xf: {  	[smem:$0x3FB6] =	sst s7  }
0x10: {  	[smem:$0x3FB7] =	sst s8  }
0x11: {  	[smem:$0x3FB8] =	sst s9;
	s0 =	simm.s32 @!p0 $0x0  }
0x12: {  	s1 =	sld [smem:$0x3F9E];
	s0 =	simm.s32 @p0 $0x1  }
0x13: {  	[smem:$0x3FB9] =	sst s0;
	s0 =	simm.s32 @!p1 $0x0  }
0x14: {  	s2 =	sld [smem:$0x3F9D];
	s0 =	simm.s32 @p1 $0x1  }
0x15: {  	[smem:$0x3FBA] =	sst s0;
	s0 =	simm.s32 @!p2 $0x0  }
0x16: {  	s3 =	sld [smem:$0x3FDB];
	s0 =	simm.s32 @p2 $0x1  }
0x17: {  	s4 =	simm.s32 $0x1BF5;
	[smem:$0x3FBC] =	sst s0  }
0x18: {  	s0 =	sld [smem:$0x3F9F];
	_ =	swait.ge [sflag:s4], $0x0  }
0x19: {  	s7 =	sld [smem:$0x3FA0]  }
0x1a: {  	s8 =	sadd.s32 $0xFFFFE003, lr  }
0x1b: {  	s9 =	sadd.s32 $0xFFFFFEF7, lr;
	s5 =	simm.s32 $0xFFFFFFFF;
	p2 =	slt.u32 s8, $0xFFFFF086  }
0x1c: {  	p1 =	slt.u32 s9, $0xF7A;
	s5 =	simm.s32 @!p2 $0x0  }
0x1d: {  	s5 =	simm.s32 @p1 $0x1;
	p0 =	seq.s32 s7, s2  }
0x1e: {  	s7 =	smul.u32 @!p0 $0xF7A, s2;
	p2 =	seq.s32 @!p0 s5, $0x0  }
0x1f: {  	s9 =	smul.u32 $0xF7A, s1;
	s8 =	simm.s32 @!p0 $0x1BF5;
	p2 =	por !p2, p0  }
0x20: {  	[sflag:s8] =	ssyncset.s32 @!p0 $0xFFFFF086;
	s6 =	sadd.s32 @!p0 s3, s7;
	s7 =	simm.s32 @!p0 $0x108  }
0x21: {  	s3 =	sadd.s32 s3, s9;
	s6 =	sadd.s32 @!p0 $0x88, s6;
	s7 =	simm.s32 @p2 $0x1082  }
0x22: {  	[simem:s7], [sflag:s8] =	dma.local @!p0 [hbm:s6], $0xF7A  }
0x23: {  	s9 =	sor.u32 $0xD0000000, s2;
	s6 =	simm.s32 $0x108;
	_ =	swait.ge @!p0 [sflag:s8], $0x0  }
0x24: {  	s3 =	sadd.s32 $0x88, s3;
	s6 =	simm.s32 @!p1 $0x1082;
	[sflag:s4] =	ssyncset.s32 $0xFFFFF086  }
0x25: {  	[simem:s6], [sflag:s4] =	dma.local [hbm:s3], $0xF7A  }
0x26: {  	[smem:$0x3FA0] =	sst s1;
	(tag) =	ssettag s2;
	_ =	strace s9  }
0x27: {  	s1 =	sld [smem:$0x3FB0]  }
0x28: {  	s2 =	sld [smem:$0x3FB1]  }
0x29: {  	s4 =	sld [smem:$0x3FB3]  }
0x2a: {  	p0 =	seq.s32 s5, $0x0;
	s5 =	sld [smem:$0x3FB4]  }
0x2b: {  	s6 =	sld [smem:$0x3FB5]  }
0x2c: {  	s7 =	sld [smem:$0x3FB6]  }
0x2d: {  	s3 =	simm.s32 $0x108;
	s8 =	sld [smem:$0x3FB7]  }
0x2e: {  	s3 =	simm.s32 @!p0 $0x1082;
	s9 =	sld [smem:$0x3FB8]  }
0x2f: {  	lr =	sadd.s32 s0, s3;
	s0 =	sld [smem:$0x3FAF]  }
0x30: {  	s3 =	sld [smem:$0x3FB2]  }
0x31: {  	[smem:$0x3FBB] =	sst s10  }
0x32: {  	s10 =	sld [smem:$0x3FB9];
	_ =	sdelay $0x3  }
0x33: {  	p0 =	seq.s32 s10, $0x1;
	s10 =	sld [smem:$0x3FBB];
	_ =	sdelay $0x3  }
0x34: {  	[smem:$0x3FBB] =	sst s10  }
0x35: {  	s10 =	sld [smem:$0x3FBA];
	_ =	sdelay $0x3  }
0x36: {  	p1 =	seq.s32 s10, $0x1;
	s10 =	sld [smem:$0x3FBB];
	_ =	sdelay $0x3  }
0x37: {  	[smem:$0x3FBB] =	sst s10  }
0x38: {  	s10 =	sld [smem:$0x3FBC]  }
0x39: {  	_ = 	snop;
	(pc) =	sbr.ind lr, $3  }
0x3a: {  	_ = 	snop  }
0x3b: {  	_ = 	snop  }
0x3c: {  	p2 =	seq.s32 s10, $0x1;
	s10 =	sld [smem:$0x3FBB]  }
0x3d: {  	_ =	shalt  }
0x3e: {  	_ =	shalt  }
0x3f: {  	_ =	shalt  }
0x40: {  	_ =	shalt  }
0x41: {  	_ =	shalt  }
0x42: {  	_ =	shalt  }
0x43: {  	_ =	shalt  }
0x44: {  	_ =	shalt  }
0x45: {  	_ =	shalt  }
0x46: {  	_ =	shalt  }
0x47: {  	_ =	shalt  }
0x48: {  	_ =	shalt  }
0x49: {  	_ =	shalt  }
0x4a: {  	_ =	shalt  }
0x4b: {  	_ =	shalt  }
0x4c: {  	_ =	shalt  }
0x4d: {  	_ =	shalt  }
0x4e: {  	_ =	shalt  }
0x4f: {  	_ =	shalt  }
0x50: {  	_ =	shalt  }
0x51: {  	_ =	shalt  }
0x52: {  	_ =	shalt  }
0x53: {  	_ =	shalt  }
0x54: {  	_ =	shalt  }
0x55: {  	_ =	shalt  }
0x56: {  	_ =	shalt  }
0x57: {  	_ =	shalt  }
0x58: {  	_ =	shalt  }
0x59: {  	_ =	shalt  }
0x5a: {  	_ =	shalt  }
0x5b: {  	_ =	shalt  }
0x5c: {  	_ =	shalt  }
0x5d: {  	_ =	shalt  }
0x5e: {  	_ =	shalt  }
0x5f: {  	_ =	shalt  }
0x60: {  	_ =	shalt  }
0x61: {  	_ =	shalt  }
0x62: {  	_ =	shalt  }
0x63: {  	_ =	shalt  }
0x64: {  	_ =	shalt  }
0x65: {  	_ =	shalt  }
0x66: {  	_ =	shalt  }
0x67: {  	_ =	shalt  }
0x68: {  	_ =	shalt  }
0x69: {  	_ =	shalt  }
0x6a: {  	_ =	shalt  }
0x6b: {  	_ =	shalt  }
0x6c: {  	_ =	shalt  }
0x6d: {  	_ =	shalt  }
0x6e: {  	_ =	shalt  }
0x6f: {  	_ =	shalt  }
0x70: {  	_ =	shalt  }
0x71: {  	_ =	shalt  }
0x72: {  	_ =	shalt  }
0x73: {  	_ =	shalt  }
0x74: {  	_ =	shalt  }
0x75: {  	_ =	shalt  }
0x76: {  	_ =	shalt  }
0x77: {  	_ =	shalt  }
0x78: {  	_ =	shalt  }
0x79: {  	_ =	shalt  }
0x7a: {  	_ =	shalt  }
0x7b: {  	_ =	shalt  }
0x7c: {  	_ =	shalt  }
0x7d: {  	_ =	shalt  }
0x7e: {  	_ =	shalt  }
0x7f: {  	_ =	shalt  }
0x80: {  	_ =	shalt  }
0x81: {  	_ =	shalt  }
0x82: {  	_ =	shalt  }
0x83: {  	_ =	shalt  }
0x84: {  	_ =	shalt  }
0x85: {  	_ =	shalt  }
0x86: {  	_ =	shalt  }
0x87: {  	_ =	shalt  }
.Lfunc_end0:
.L_simem_size_0:
called_computation_lowered:
.L_overlay_start_0:
0x88: {  	s2 =	sld [smem:$0x3FD9]  }
0x89: {  	s3 =	sld [smem:$0x3FFE];
	_ =	sdelay $0x1  }
0x8a: {  	s1 =	srdreg.scid  }
0x8b: {  	s0 =	sand.u32 $0x1, s1  }
0x8c: {  	s17 =	sshll.u32 s0, $0xA;
	s2 =	sadd.s32 s3, s2  }
0x8d: {  	s2 =	sadd.s32 s2, s17  }
0x8e: {  	[smem:$0x3FC7] =	sst s2  }
0x8f: {  	_ = 	snop  }
0x90: {  	s2 =	sld [smem:$0x3FC9]  }
0x91: {  	s18 =	sld [smem:$0x3FD0];
	(tm) =	ssettm $0x1  }
0x92: {  	s4 =	sld [smem:$0x3FFB];
	_ =	sdelay $0x3  }
0x93: {  	_ =	strace s4  }
0x94: {  	s4 =	sld [smem:$0x3FFC];
	_ =	sdelay $0x3  }
0x95: {  	_ =	strace s4  }
0x96: {  	s4 =	sld [smem:$0x3FFD];
	_ =	sdelay $0x3  }
0x97: {  	_ =	strace s4  }
0x98: {  	_ =	strace $0x8FFFFFFF  }
0x99: {  	s19 =	sld [smem:$0x3FDB];
	_ =	sdelay $0x1  }
0x9a: {  	s5 =	simm.s32 $_scs_section_size  }
0x9b: {  	s6 =	simm.s32 $_size__tile_overlayer_lowered;
	s7 =	simm.s32 $_tile_overlayer_lowered  }
0x9c: {  	s22 =	simm.s32 $0x1BFF;
	s21 =	sshll.u32 s7, $0x1;
	s4 =	sadd.s32 s5, s19  }
0x9d: {  	s8 =	simm.s32 $0x0;
	s20 =	sshll.u32 s6, $0x1;
	s6 =	sadd.s32 s21, s4  }
0x9e: {  	[timem:s8], [sflag:s22] =	dma.local [hbm:s6], s20  }
0x9f: {  	_ =	swait.ge [sflag:s22], s20  }
0xa0: {  	s5 =	ssub.s32 $0x0, s20;
	[sflag:s22] =	ssyncset.done $0x0  }
0xa1: {  	[sflag:s22] =	ssyncadd.s32 s5;
	_ =	sdelay $0x1  }
0xa2: {  	s23 =	simm.s32 $0x1B8B  }
0xa3: {  	_ =	swait.ge [sflag:s23], $0x1  }
0xa4: {  	[sflag:s23] =	ssyncset.done $0x0  }
0xa5: {  	s25 =	simm.s32 $0x1B8E;
	s24 =	sld [smem:$0x3FFE];
	[sflag:s23] =	ssyncadd.s32 $0xFFFFFFFF  }
0xa6: {  	s26 =	simm.s32 $execute0_lowered;
	[smem:$0x3FD2] =	sst s25  }
0xa7: {  	s6 =	sshll.u32 s26, $0x1;
	_ =	strace $0x80000046;
	[dreg:$0x1] =	wrdreg $0xFFFFFFFF  }
0xa8: {  	s28 =	simm.s32 $_size_execute0_lowered;
	s4 =	sadd.s32 s4, s6;
	[dreg:$0x0] =	wrdreg $0x0  }
0xa9: {  	s6 =	sshll.u32 s28, $0x1;
	[dreg:$0x2] =	wrdreg s4  }
0xaa: {  	[dreg:$0x3] =	wrdreg s6  }
0xab: {  	[dreg:$0x4] =	wrdreg $0xC0  }
0xac: {  	_ =	task [dreg:s8], $0x5FFFF  }
0xad: {  	[dreg:$0x1] =	wrdreg $0xFFFFFFFF  }
0xae: {  	[dreg:$0x0] =	wrdreg $0x60  }
0xaf: {  	[dreg:$0x2] =	wrdreg s2  }
0xb0: {  	[dreg:$0x3] =	wrdreg s24  }
0xb1: {  	[dreg:$0x4] =	wrdreg s18  }
0xb2: {  	[dreg:$0x5] =	wrdreg $0x9  }
0xb3: {  	_ =	task.clear_ibuf [dreg:s8], $0x6FFFF;
	_ =	strace $0x90000046  }
0xb4: {  	s29 =	simm.s32 $0x9;
	_ =	strace $0x80000048  }
0xb5: {  	_ =	swait.ge [sflag:s29], $0x1  }
0xb6: {  	[sflag:s29] =	ssyncadd.s32 $0xFFFFFFFF  }
0xb7: {  	_ =	strace $0x90000048  }
0xb8: {  	_ =	sfence  }
0xb9: {  	s30 =	sld [smem:$0x0];
	_ =	sdelay $0x2  }
0xba: {  	s31 =	sshll.u32 s1, $0xD;
	s1 =	sshrl.u32 s1, $0x2  }
0xbb: {  	s3 =	sand.u32 $0x4000, s31;
	s1 =	sadd.s32 s1, s30  }
0xbc: {  	s0 =	sor.u32 s3, s0;
	s1 =	sshll.u32 s1, $0x11  }
0xbd: {  	s0 =	sor.u32 s1, s0  }
0xbe: {  	s0 =	sadd.s32 $0x8F2B, s0  }
0xbf: {  	[sflag:s0] =	ssyncadd.remote.s32 $0x1  }
0xc0: {  	_ =	sfence.sel $0xFFFF  }
0xc1: {  	[dreg:$0x0] =	wrdreg $0xFFFFFFFF;
	(pc) =	sbr.abs _section_cstart, $3  }
0xc2: {  	[dreg:$0x1] =	wrdreg $0xFFFFFFFF  }
0xc3: {  	_ =	task.clear_ibuf [dreg:s8], $0x2FFFF;
	_ =	strace $0x9FFFFFFF  }
0xc4: {  	(tm) =	ssettm $0x7FFFFFFF  }
0xc5: {  	_ =	shalt  }
tec
execute0_lowered:
.L_overlay_start_1:
0x0: {  	(tag) =	ssettag $0x1  }
0x1: {  	s4 =	rddreg [dreg:$0x0]  }
0x2: {  	s3 =	rddreg [dreg:$0x1]  }
0x3: {  	s5 =	rddreg [dreg:$0x2]  }
0x4: {  	s0 =	rddreg [dreg:$0x3]  }
0x5: {  	s2 =	simm.s32 $0x0;
	s6 =	srdreg.scid;
	s1 =	stileid.u32  }
0x6: {  	s11 =	simm.s32 $0x20000;
	s12 =	simm.s32 $0x0;
	[smem:$0x7FF] =	sst s2  }
0x7: {  	s6 =	sand.u32 $0x1, s6;
	s8 =	sshll.u32 s1, $0x9;
	s3 =	sadd.s32 $0x400, s3  }
0x8: {  	_ =	strace $0x80000047;
	s7 =	ssub.s32 $0x2, s6;
	s6 =	sshll.u32 s6, $0xD  }
0x9: {  	v0 =	vlaneseq.u32;
	s9 =	sshrl.u32 s7, $0x1;
	s10 =	sor.u32 s8, s6;
	s6 =	sadd.s32 s6, s5  }
0xa: {  	v1 =	vimm.f32 $1.000000000e+00;
	v9 =	vimm.f32 $0.0e+00;
	v2 =	vor.u32 $0x10, v0;
	s7 =	ssub.s32 s7, s9;
	s31 =	sshrl.u32 s10, $0x3;
	s6 =	sadd.s32 s8, s6  }
0xb: {  	v3 =	vor.u32 $0x20, v0;
	v4 =	vor.u32 $0x30, v0;
	v5 =	vor.u32 $0x40, v0;
	s8 =	simm.s32 $0x2;
	s9 =	simm.s32 $0x1;
	s10 =	simm.s32 $0x400  }
0xc: {  	v6 =	vor.u32 $0x50, v0;
	v7 =	vor.u32 $0x60, v0;
	v8 =	vor.u32 $0x70, v0;
	s4 =	sadd.s32 s4, s31;
	s5 =	smax.u32 s7, $0x1;
	s7 =	simm.s32 $0x200  }
.LBB2_1:
0xd: {  	[tilespmem:s2], [sflag:$0x2] =	stream.linear.gather [hbm4b:s4+s2], $0x200, $0x38;
	[tilespmem:$0x1F600] =	vst v63  }
0xe: {  	_ = 	snop  }
0xf: {  	[tilespmem:s7], [sflag:$0x1] =	stream.linear.gather [hbm4b:s3+s2], $0x1F400, $0x38;
	[tilespmem:$0x1F600] =	vst v63  }
0x10: {  	_ =	swait.ge [sflag:s8], $0x200  }
0x11: {  	[sflag:s8] =	ssyncset.done $0x0  }
0x12: {  	[sflag:s8] =	ssyncadd.s32 $0xFFFFFE00  }
0x13: {  	_ =	swait.ge [sflag:s9], $0x1F400  }
0x14: {  	[sflag:s9] =	ssyncset.done $0x0  }
0x15: {  	s13 =	simm.s32 $0x40;
	s14 =	simm.s32 $0x0;
	[sflag:s9] =	ssyncadd.s32 $0xFFFE0C00  }
.LBB2_2:
0x16: {  	v10 =	vld [tilespmem:s13+$0xFFFFFFC0];
	_ =	sdelay $0x4  }
0x17: {  	v10 =	vshll.u32 v10, $0x7  }
0x18: {  	v10 =	vor.u32 v0, v10;
	_ =	sdelay $0x4  }
0x19: {  	[tilespmem:v10+s7+$0x0] =	vst.idx.msk $0xffff, v1  }
0x1a: {  	v11 =	vld [tilespmem:s13+$0xFFFFFFD0];
	_ =	sdelay $0x4  }
0x1b: {  	v11 =	vshll.u32 v11, $0x7  }
0x1c: {  	v11 =	vor.u32 v2, v11;
	_ =	sdelay $0x4  }
0x1d: {  	[tilespmem:v11+s7+$0x0] =	vst.idx.msk $0xffff, v1  }
0x1e: {  	v12 =	vld [tilespmem:s13+$0xFFFFFFE0];
	_ =	sdelay $0x4  }
0x1f: {  	v12 =	vshll.u32 v12, $0x7  }
0x20: {  	v12 =	vor.u32 v3, v12;
	_ =	sdelay $0x4  }
0x21: {  	[tilespmem:v12+s7+$0x0] =	vst.idx.msk $0xffff, v1  }
0x22: {  	v13 =	vld [tilespmem:s13+$0xFFFFFFF0];
	_ =	sdelay $0x4  }
0x23: {  	v13 =	vshll.u32 v13, $0x7  }
0x24: {  	v13 =	vor.u32 v4, v13;
	_ =	sdelay $0x4  }
0x25: {  	[tilespmem:v13+s7+$0x0] =	vst.idx.msk $0xffff, v1  }
0x26: {  	v14 =	vld [tilespmem:s13+$0x0];
	_ =	sdelay $0x4  }
0x27: {  	v14 =	vshll.u32 v14, $0x7  }
0x28: {  	v14 =	vor.u32 v5, v14;
	_ =	sdelay $0x4  }
0x29: {  	[tilespmem:v14+s7+$0x0] =	vst.idx.msk $0xffff, v1  }
0x2a: {  	v15 =	vld [tilespmem:s13+$0x10];
	_ =	sdelay $0x4  }
0x2b: {  	v15 =	vshll.u32 v15, $0x7  }
0x2c: {  	v15 =	vor.u32 v6, v15;
	_ =	sdelay $0x4  }
0x2d: {  	[tilespmem:v15+s7+$0x0] =	vst.idx.msk $0xffff, v1  }
0x2e: {  	v16 =	vld [tilespmem:s13+$0x20];
	_ =	sdelay $0x4  }
0x2f: {  	v16 =	vshll.u32 v16, $0x7  }
0x30: {  	v16 =	vor.u32 v7, v16;
	_ =	sdelay $0x4  }
0x31: {  	[tilespmem:v16+s7+$0x0] =	vst.idx.msk $0xffff, v1  }
0x32: {  	v17 =	vld [tilespmem:s13+$0x30];
	_ =	sdelay $0x4  }
0x33: {  	v17 =	vshll.u32 v17, $0x7  }
0x34: {  	v17 =	vor.u32 v8, v17;
	_ =	sdelay $0x4  }
0x35: {  	s15 =	sadd.s32 s14, s6;
	[tilespmem:v17+s7+$0x0] =	vst.idx.msk $0xffff, v1  }
0x36: {  	[hbm4b:s15+s10] =	stream.strided.scatter [tilespmem:s7], [sflag:$0x1], $0x1F400, s11, s10, $0x38;
	[tilespmem:$0x1F600] =	vst v63  }
0x37: {  	_ =	swait.ge [sflag:s9], $0x1F400  }
0x38: {  	[sflag:s9] =	ssyncset.done $0x0  }
0x39: {  	[sflag:s9] =	ssyncadd.s32 $0xFFFE0C00  }
0x3a: {  	[tilespmem:v10+s7+$0x0] =	vst.idx.msk $0xffff, v9  }
0x3b: {  	[tilespmem:v11+s7+$0x0] =	vst.idx.msk $0xffff, v9  }
0x3c: {  	p0 =	sne.s32 s14, $0x180;
	[tilespmem:v12+s7+$0x0] =	vst.idx.msk $0xffff, v9  }
.Ltmp0:
0x3d: {  	[tilespmem:v13+s7+$0x0] =	vst.idx.msk $0xffff, v9;
	(pc) =	sbr.rel @p0 .LBB2_2-.Ltmp0, $4  }
0x3e: {  	[tilespmem:v14+s7+$0x0] =	vst.idx.msk $0xffff, v9  }
0x3f: {  	[tilespmem:v15+s7+$0x0] =	vst.idx.msk $0xffff, v9  }
0x40: {  	[tilespmem:v16+s7+$0x0] =	vst.idx.msk $0xffff, v9  }
0x41: {  	s14 =	sadd.s32 $0x80, s14;
	s13 =	sadd.s32 $0x80, s13;
	[tilespmem:v17+s7+$0x0] =	vst.idx.msk $0xffff, v9  }
0x42: {  	s12 =	sadd.s32 $0x1, s12  }
0x43: {  	p0 =	sne.s32 s12, s5  }
.Ltmp1:
0x44: {  	_ = 	snop;
	(pc) =	sbr.rel @p0 .LBB2_1-.Ltmp1, $1  }
0x45: {  	_ =	sdelay $0x3  }
0x46: {  	_ =	sfence.sel $0x180000  }
0x47: {  	[bflag:$0x0] =	sbarrier.arrive $0xFFFF  }
0x48: {  	p0 =	sne.s32 s1, $0x0;
	_ =	strace $0x90000047  }
0x49: {  	s0 =	sadd.s32 @!p0 $0x100000, s0;
	[bflag:$0x2] =	sbarrier.arrive $0xFFFF  }
0x4a: {  	[sflag:s0] =	ssyncadd.tile.s32 @!p0 $0x1;
	_ =	shalt  }
.Lfunc_end2:
_tile_overlayer_lowered:
.L_overlay_start_2:
0x4b: {  	(tag) =	ssettag $0x2  }
0x4c: {  	s0 =	rddreg [dreg:$0x0];
	s2 =	stileid.u32  }
0x4d: {  	s1 =	rddreg [dreg:$0x1];
	p0 =	sne.s32 s2, $0x0  }
0x4e: {  	s3 =	rddreg [dreg:$0x2];
	[bflag:$0x3] =	sbarrier.arrive $0xFFFF;
	s2 =	simm.s32 @!p0 $0x1C03  }
0x4f: {  	[timem:s3], [sflag:s2] =	dma.local @!p0 [hbm:s0], s1  }
0x50: {  	s0 =	simm.s32 @!p0 $0x3  }
0x51: {  	_ =	swait.ge @!p0 [sflag:s0], s1  }
0x52: {  	s1 =	ssub.s32 @!p0 $0x0, s1;
	[sflag:s0] =	ssyncset.done @!p0 $0x0  }
0x53: {  	[sflag:s0] =	ssyncadd.s32 @!p0 s1  }
0x54: {  	[bflag:$0x3] =	sbarrier.arrive $0xFFFF  }
0x55: {  	_ =	shalt  }

</sc_bundles>
